<compile_context>
chip_gen: v7x
topology: tpu7x:2x2x1
jax: 0.10.2.dev20260603
libtpu: 0.0.44.dev20260713+nightly
codegen_flags: <defaults>
</compile_context>

<pallas_src>
import functools

import jax
import jax.numpy as jnp
from jax import lax
from jax.experimental import pallas as pl
from jax.experimental.pallas import tpu as pltpu
from jax.experimental.pallas import tpu_sc as plsc

def _sc_gather_kernel(kf_hbm, idx_hbm, out_hbm, idx16, rows16, idx8, rows8,
                      sem, *, n_full, tail_base):
    wid = lax.axis_index("s") + lax.axis_index("c")

    @pl.when(wid < n_full)
    def _():
        base = wid * 16
        pltpu.sync_copy(idx_hbm.at[pl.ds(base, 16)], idx16)
        pltpu.async_copy(kf_hbm.at[idx16], rows16, sem).wait()
        pltpu.sync_copy(rows16, out_hbm.at[pl.ds(base, 16)])

    @pl.when(wid == n_full)
    def _():
        pltpu.sync_copy(idx_hbm.at[pl.ds(tail_base, 8)], idx8)
        pltpu.async_copy(kf_hbm.at[idx8], rows8, sem).wait()
        pltpu.sync_copy(rows8, out_hbm.at[pl.ds(tail_base, 8)])


def _gather_kf_sc(kf_embed, kf_idx, d):
    s_len = kf_idx.shape[0]
    n_full = s_len // 16
    mesh = plsc.VectorSubcoreMesh(core_axis_name="c", subcore_axis_name="s",
                                  num_cores=1)
    return pl.kernel(
        functools.partial(_sc_gather_kernel, n_full=n_full,
                          tail_base=n_full * 16),
        out_type=jax.ShapeDtypeStruct((s_len, d), jnp.float32),
        mesh=mesh,
        scratch_types=[
            pltpu.VMEM((16,), jnp.int32),
            pltpu.VMEM((16, d), jnp.float32),
            pltpu.VMEM((8,), jnp.int32),
            pltpu.VMEM((8, d), jnp.float32),
            pltpu.SemaphoreType.DMA,
        ],
    )(kf_embed, kf_idx)


def _tc_ln_kernel(pos_ref, kf_ref, w_ref, b_ref, x_ref, o_ref):
    bblk, s_len, d = x_ref.shape
    jmat = jnp.full((d, d), 1.0 / d, dtype=jnp.float32)
    add = (pos_ref[...] + kf_ref[...])[None, :, :]
    emb = (x_ref[...] + add).reshape(bblk * s_len, d)
    mean = lax.dot(emb, jmat,
                   preferred_element_type=jnp.float32)
    diff = emb - mean
    s2 = jnp.sum(diff * diff, axis=-1, keepdims=True)
    w = w_ref[...] * jnp.float32(d ** 0.5)
    scale = lax.rsqrt(s2 + jnp.float32(d * 1e-5))
    o_ref[...] = (diff * (scale * w) + b_ref[...]).reshape(bblk, s_len, d)


def kernel(x, pos_embed, kf_embed, ln_weight, ln_bias, n_past, n_future,
           n_trans):
    b, s_len, d = x.shape
    bblk = 64

    pos_index = jnp.arange(s_len, dtype=jnp.int32)
    n_past = jnp.asarray(n_past, jnp.int32)
    n_trans = jnp.asarray(n_trans, jnp.int32)
    n_position = n_past + jnp.asarray(n_future, jnp.int32) + n_trans
    kf_idx = jnp.where((pos_index >= n_past) & (pos_index < n_past + n_trans),
                       jnp.int32(1), jnp.int32(0))
    kf_idx = jnp.where(pos_index >= n_position, jnp.int32(2), kf_idx)

    kf_table = _gather_kf_sc(kf_embed, kf_idx, d)

    return pl.pallas_call(
        _tc_ln_kernel,
        grid=(b // bblk,),
        in_specs=[
            pl.BlockSpec((s_len, d), lambda i: (0, 0)),
            pl.BlockSpec((s_len, d), lambda i: (0, 0)),
            pl.BlockSpec((1, d), lambda i: (0, 0)),
            pl.BlockSpec((1, d), lambda i: (0, 0)),
            pl.BlockSpec((bblk, s_len, d), lambda i: (i, 0, 0)),
        ],
        out_specs=pl.BlockSpec((bblk, s_len, d), lambda i: (i, 0, 0)),
        out_shape=jax.ShapeDtypeStruct((b, s_len, d), x.dtype),
        compiler_params=pltpu.CompilerParams(
            dimension_semantics=("arbitrary",)),
    )(pos_embed, kf_table, ln_weight.reshape(1, d), ln_bias.reshape(1, d), x)

# --- scband reference (transcript-rebuilt; emitter-appended) ---
"""Pipeline reference for scband-embedding-10514079940959 (READ-ONLY COPY).

The authoritative reference and input builder live on the scoring server;
editing this copy changes nothing except your own understanding.
"""

import jax, jax.numpy as jnp
import numpy as np

B, S, D = 1024, 200, 128
MAXLEN, N_SEG = 200, 3

def setup_inputs(seed: int = 0) -> dict:
    key = jax.random.key(seed)
    k1, k2, k3 = jax.random.split(key, 3)
    x = jax.random.normal(k1, (B, S, D), dtype=jnp.float32)
    pos_embed = jax.random.normal(k2, (MAXLEN, D), dtype=jnp.float32) * 0.02
    kf_embed = jax.random.normal(k3, (N_SEG, D), dtype=jnp.float32) * 0.02
    ln_weight = jnp.ones((D,), dtype=jnp.float32)
    ln_bias = jnp.zeros((D,), dtype=jnp.float32)
    return {"x": x, "pos_embed": pos_embed, "kf_embed": kf_embed,
            "ln_weight": ln_weight, "ln_bias": ln_bias,
            "n_past": 50, "n_future": 50, "n_trans": 100}

def reference(x, pos_embed, kf_embed, ln_weight, ln_bias, n_past, n_future, n_trans):
    seq_len = x.shape[1]
    n_position = n_past + n_future + n_trans
    pos_index = jnp.arange(seq_len, dtype=jnp.int32)
    kf_index = jnp.where((pos_index >= n_past) & (pos_index < n_past + n_trans),
                         jnp.int32(1), jnp.int32(0))
    kf_index = jnp.where(pos_index >= n_position, jnp.int32(2), kf_index)
    emb = x + jnp.take(pos_embed, pos_index, axis=0) + jnp.take(kf_embed, kf_index, axis=0)
    mean = jnp.mean(emb, axis=-1, keepdims=True)
    var = jnp.var(emb, axis=-1, keepdims=True)
    normed = (emb - mean) / jnp.sqrt(var + 1e-5)
    return normed * ln_weight + ln_bias

if __name__ == "__main__":
    import jax
    _d = setup_inputs()
    print(jax.jit(kernel)(*tuple(_d.values())))

</pallas_src>

<mosaic_0001>
#map = affine_map<(d0, d1) -> (0, 0)>
#map1 = affine_map<(d0, d1) -> (0)>
module attributes {stable_mosaic.version = 14 : i64} {
  func.func @_sc_gather_kernel(%arg0: i32, %arg1: i32, %arg2: memref<3x128xf32, #tpu.memory_space<hbm>>, %arg3: memref<200xi32, #tpu.memory_space<hbm>>, %arg4: memref<200x128xf32, #tpu.memory_space<hbm>>, %arg5: memref<16xi32, #tpu.memory_space<vmem>>, %arg6: memref<16x128xf32, #tpu.memory_space<vmem>>, %arg7: memref<8xi32, #tpu.memory_space<vmem>>, %arg8: memref<8x128xf32, #tpu.memory_space<vmem>>, %arg9: memref<!tpu.dma_semaphore, #tpu.memory_space<semaphore_mem>>) attributes {dimension_semantics = [#tpu.dimension_semantics<core_parallel>, #tpu.dimension_semantics<subcore_parallel>], iteration_bounds = array<i64: 1, 16>, scalar_prefetch = 0 : i64, scratch_operands = 5 : i64, tpu.core_type = #tpu.core_type<sc_vector_subcore>, window_params = [{transform_indices = #map}, {transform_indices = #map1}, {transform_indices = #map}]} {
    %add3A = arith.addi %arg1, %arg0 : i32
    %lt3A = arith.constant 12 : i32
    %lt3A_0 = arith.cmpi slt, %add3A, %lt3A : i32
    %convert_element_type3A = arith.extui %lt3A_0 : i1 to i32
    %cond3A = arith.constant 0 : i32
    %cond3A_1 = arith.cmpi ne, %convert_element_type3A, %cond3A : i32
    scf.if %cond3A_1 {
      %mul3A = arith.constant 16 : i32
      %mul3A_6 = arith.muli %add3A, %mul3A : i32
      "tpu.region"() ({
        %run_scoped3A = tpu.sem_alloc : memref<!tpu.dma_semaphore, #tpu.memory_space<semaphore_mem>>
        %dma_start3A_11 = tpu.memref_slice %arg3[%mul3A_6] : memref<200xi32, #tpu.memory_space<hbm>> -> memref<16xi32, #tpu.memory_space<hbm>>
        %dma_start3A_12 = tpu.memref_slice %arg3[%mul3A_6] : memref<200xi32, #tpu.memory_space<hbm>> -> memref<16xi32, #tpu.memory_space<hbm>>
        tpu.enqueue_dma source(%dma_start3A_12 : memref<16xi32, #tpu.memory_space<hbm>>) target(%arg5 : memref<16xi32, #tpu.memory_space<vmem>>) target_semaphore(%run_scoped3A : memref<!tpu.dma_semaphore, #tpu.memory_space<semaphore_mem>>)
        %dma_wait3A_13 = tpu.memref_slice %arg3[%mul3A_6] : memref<200xi32, #tpu.memory_space<hbm>> -> memref<16xi32, #tpu.memory_space<hbm>>
        %dma_wait3A_14 = tpu.memref_slice %arg3[%mul3A_6] : memref<200xi32, #tpu.memory_space<hbm>> -> memref<16xi32, #tpu.memory_space<hbm>>
        tpu.wait_dma2 semaphore(%run_scoped3A : memref<!tpu.dma_semaphore, #tpu.memory_space<semaphore_mem>>) src(%dma_wait3A_14 : memref<16xi32, #tpu.memory_space<hbm>>) dst(%arg5 : memref<16xi32, #tpu.memory_space<vmem>>)
        tpu.yield
      }) : () -> ()
      %dma_start3A = arith.constant 0 : i32
      %dma_start3A_7 = arith.constant 0 : i32
      %dma_start3A_8 = tpu.memref_slice %arg2[%dma_start3A, %dma_start3A_7] : memref<3x128xf32, #tpu.memory_space<hbm>> -> memref<3x128xf32, #tpu.memory_space<hbm>>
      tpu.enqueue_indirect_dma source(%dma_start3A_8 : memref<3x128xf32, #tpu.memory_space<hbm>>) target(%arg6 : memref<16x128xf32, #tpu.memory_space<vmem>>) offsets(%arg5 : memref<16xi32, #tpu.memory_space<vmem>>) semaphore(%arg9 : memref<!tpu.dma_semaphore, #tpu.memory_space<semaphore_mem>>)
      %dma_wait3A = arith.constant 0 : i32
      %dma_wait3A_9 = arith.constant 0 : i32
      %dma_wait3A_10 = tpu.memref_slice %arg2[%dma_wait3A, %dma_wait3A_9] : memref<3x128xf32, #tpu.memory_space<hbm>> -> memref<3x128xf32, #tpu.memory_space<hbm>>
      tpu.wait_indirect_dma semaphore(%arg9 : memref<!tpu.dma_semaphore, #tpu.memory_space<semaphore_mem>>) src(%dma_wait3A_10 : memref<3x128xf32, #tpu.memory_space<hbm>>) dst(%arg6 : memref<16x128xf32, #tpu.memory_space<vmem>>)
      "tpu.region"() ({
        %run_scoped3A = tpu.sem_alloc : memref<!tpu.dma_semaphore, #tpu.memory_space<semaphore_mem>>
        %dma_start3A_11 = arith.constant 0 : i32
        %dma_start3A_12 = tpu.memref_slice %arg4[%mul3A_6, %dma_start3A_11] : memref<200x128xf32, #tpu.memory_space<hbm>> -> memref<16x128xf32, #tpu.memory_space<hbm>>
        %dma_start3A_13 = arith.constant 0 : i32
        %dma_start3A_14 = tpu.memref_slice %arg4[%mul3A_6, %dma_start3A_13] : memref<200x128xf32, #tpu.memory_space<hbm>> -> memref<16x128xf32, #tpu.memory_space<hbm>>
        tpu.enqueue_dma source(%arg6 : memref<16x128xf32, #tpu.memory_space<vmem>>) target(%dma_start3A_14 : memref<16x128xf32, #tpu.memory_space<hbm>>) target_semaphore(%run_scoped3A : memref<!tpu.dma_semaphore, #tpu.memory_space<semaphore_mem>>)
        %dma_wait3A_15 = arith.constant 0 : i32
        %dma_wait3A_16 = tpu.memref_slice %arg4[%mul3A_6, %dma_wait3A_15] : memref<200x128xf32, #tpu.memory_space<hbm>> -> memref<16x128xf32, #tpu.memory_space<hbm>>
        %dma_wait3A_17 = arith.constant 0 : i32
        %dma_wait3A_18 = tpu.memref_slice %arg4[%mul3A_6, %dma_wait3A_17] : memref<200x128xf32, #tpu.memory_space<hbm>> -> memref<16x128xf32, #tpu.memory_space<hbm>>
        tpu.wait_dma2 semaphore(%run_scoped3A : memref<!tpu.dma_semaphore, #tpu.memory_space<semaphore_mem>>) src(%arg6 : memref<16x128xf32, #tpu.memory_space<vmem>>) dst(%dma_wait3A_18 : memref<16x128xf32, #tpu.memory_space<hbm>>)
        tpu.yield
      }) : () -> ()
    } else {
    }
    %eq3A = arith.constant 12 : i32
    %eq3A_2 = arith.cmpi eq, %add3A, %eq3A : i32
    %convert_element_type3A_3 = arith.extui %eq3A_2 : i1 to i32
    %cond3A_4 = arith.constant 0 : i32
    %cond3A_5 = arith.cmpi ne, %convert_element_type3A_3, %cond3A_4 : i32
    scf.if %cond3A_5 {
      "tpu.region"() ({
        %run_scoped3A = tpu.sem_alloc : memref<!tpu.dma_semaphore, #tpu.memory_space<semaphore_mem>>
        %dma_start3A_10 = arith.constant 192 : i32
        %dma_start3A_11 = tpu.memref_slice %arg3[%dma_start3A_10] : memref<200xi32, #tpu.memory_space<hbm>> -> memref<8xi32, #tpu.memory_space<hbm>>
        %dma_start3A_12 = arith.constant 192 : i32
        %dma_start3A_13 = tpu.memref_slice %arg3[%dma_start3A_12] : memref<200xi32, #tpu.memory_space<hbm>> -> memref<8xi32, #tpu.memory_space<hbm>>
        tpu.enqueue_dma source(%dma_start3A_13 : memref<8xi32, #tpu.memory_space<hbm>>) target(%arg7 : memref<8xi32, #tpu.memory_space<vmem>>) target_semaphore(%run_scoped3A : memref<!tpu.dma_semaphore, #tpu.memory_space<semaphore_mem>>)
        %dma_wait3A_14 = arith.constant 192 : i32
        %dma_wait3A_15 = tpu.memref_slice %arg3[%dma_wait3A_14] : memref<200xi32, #tpu.memory_space<hbm>> -> memref<8xi32, #tpu.memory_space<hbm>>
        %dma_wait3A_16 = arith.constant 192 : i32
        %dma_wait3A_17 = tpu.memref_slice %arg3[%dma_wait3A_16] : memref<200xi32, #tpu.memory_space<hbm>> -> memref<8xi32, #tpu.memory_space<hbm>>
        tpu.wait_dma2 semaphore(%run_scoped3A : memref<!tpu.dma_semaphore, #tpu.memory_space<semaphore_mem>>) src(%dma_wait3A_17 : memref<8xi32, #tpu.memory_space<hbm>>) dst(%arg7 : memref<8xi32, #tpu.memory_space<vmem>>)
        tpu.yield
      }) : () -> ()
      %dma_start3A = arith.constant 0 : i32
      %dma_start3A_6 = arith.constant 0 : i32
      %dma_start3A_7 = tpu.memref_slice %arg2[%dma_start3A, %dma_start3A_6] : memref<3x128xf32, #tpu.memory_space<hbm>> -> memref<3x128xf32, #tpu.memory_space<hbm>>
      tpu.enqueue_indirect_dma source(%dma_start3A_7 : memref<3x128xf32, #tpu.memory_space<hbm>>) target(%arg8 : memref<8x128xf32, #tpu.memory_space<vmem>>) offsets(%arg7 : memref<8xi32, #tpu.memory_space<vmem>>) semaphore(%arg9 : memref<!tpu.dma_semaphore, #tpu.memory_space<semaphore_mem>>)
      %dma_wait3A = arith.constant 0 : i32
      %dma_wait3A_8 = arith.constant 0 : i32
      %dma_wait3A_9 = tpu.memref_slice %arg2[%dma_wait3A, %dma_wait3A_8] : memref<3x128xf32, #tpu.memory_space<hbm>> -> memref<3x128xf32, #tpu.memory_space<hbm>>
      tpu.wait_indirect_dma semaphore(%arg9 : memref<!tpu.dma_semaphore, #tpu.memory_space<semaphore_mem>>) src(%dma_wait3A_9 : memref<3x128xf32, #tpu.memory_space<hbm>>) dst(%arg8 : memref<8x128xf32, #tpu.memory_space<vmem>>)
      "tpu.region"() ({
        %run_scoped3A = tpu.sem_alloc : memref<!tpu.dma_semaphore, #tpu.memory_space<semaphore_mem>>
        %dma_start3A_10 = arith.constant 192 : i32
        %dma_start3A_11 = arith.constant 0 : i32
        %dma_start3A_12 = tpu.memref_slice %arg4[%dma_start3A_10, %dma_start3A_11] : memref<200x128xf32, #tpu.memory_space<hbm>> -> memref<8x128xf32, #tpu.memory_space<hbm>>
        %dma_start3A_13 = arith.constant 192 : i32
        %dma_start3A_14 = arith.constant 0 : i32
        %dma_start3A_15 = tpu.memref_slice %arg4[%dma_start3A_13, %dma_start3A_14] : memref<200x128xf32, #tpu.memory_space<hbm>> -> memref<8x128xf32, #tpu.memory_space<hbm>>
        tpu.enqueue_dma source(%arg8 : memref<8x128xf32, #tpu.memory_space<vmem>>) target(%dma_start3A_15 : memref<8x128xf32, #tpu.memory_space<hbm>>) target_semaphore(%run_scoped3A : memref<!tpu.dma_semaphore, #tpu.memory_space<semaphore_mem>>)
        %dma_wait3A_16 = arith.constant 192 : i32
        %dma_wait3A_17 = arith.constant 0 : i32
        %dma_wait3A_18 = tpu.memref_slice %arg4[%dma_wait3A_16, %dma_wait3A_17] : memref<200x128xf32, #tpu.memory_space<hbm>> -> memref<8x128xf32, #tpu.memory_space<hbm>>
        %dma_wait3A_19 = arith.constant 192 : i32
        %dma_wait3A_20 = arith.constant 0 : i32
        %dma_wait3A_21 = tpu.memref_slice %arg4[%dma_wait3A_19, %dma_wait3A_20] : memref<200x128xf32, #tpu.memory_space<hbm>> -> memref<8x128xf32, #tpu.memory_space<hbm>>
        tpu.wait_dma2 semaphore(%run_scoped3A : memref<!tpu.dma_semaphore, #tpu.memory_space<semaphore_mem>>) src(%arg8 : memref<8x128xf32, #tpu.memory_space<vmem>>) dst(%dma_wait3A_21 : memref<8x128xf32, #tpu.memory_space<hbm>>)
        tpu.yield
      }) : () -> ()
    } else {
    }
    return
  }
}

module attributes {stable_mosaic.version = 14 : i64} {
  func.func @_tc_ln_kernel(%arg0: i32, %arg1: memref<200x128xf32, #tpu.memory_space<vmem>>, %arg2: memref<200x128xf32, #tpu.memory_space<vmem>>, %arg3: memref<1x128xf32, #tpu.memory_space<vmem>>, %arg4: memref<1x128xf32, #tpu.memory_space<vmem>>, %arg5: memref<64x200x128xf32, #tpu.memory_space<vmem>>, %arg6: memref<64x200x128xf32, #tpu.memory_space<vmem>>) attributes {dimension_semantics = [#tpu.dimension_semantics<arbitrary>], iteration_bounds = array<i64: 16>, scalar_prefetch = 0 : i64, scratch_operands = 0 : i64, tpu.core_type = #tpu.core_type<tc>, window_params = [{pipeline_mode = #tpu.pipeline_mode<synchronous>, transform_indices = @transform_0, window_bounds = array<i64: 200, 128>}, {pipeline_mode = #tpu.pipeline_mode<synchronous>, transform_indices = @transform_1, window_bounds = array<i64: 200, 128>}, {pipeline_mode = #tpu.pipeline_mode<synchronous>, transform_indices = @transform_2, window_bounds = array<i64: 1, 128>}, {pipeline_mode = #tpu.pipeline_mode<synchronous>, transform_indices = @transform_3, window_bounds = array<i64: 1, 128>}, {transform_indices = @transform_4, window_bounds = array<i64: 64, 200, 128>}, {transform_indices = @transform_5, window_bounds = array<i64: 64, 200, 128>}]} {
    %broadcast_in_dim3A = arith.constant 7.812500e-03 : f32
    %broadcast_in_dim3A_0 = vector.broadcast %broadcast_in_dim3A : f32 to vector<128x128xf32>
    %get3A = arith.constant 0 : index
    %get3A_1 = arith.constant 0 : index
    %get3A_2 = vector.load %arg1[%get3A, %get3A_1] : memref<200x128xf32, #tpu.memory_space<vmem>>, vector<200x128xf32>
    %get3A_3 = arith.constant 0 : index
    %get3A_4 = arith.constant 0 : index
    %get3A_5 = vector.load %arg2[%get3A_3, %get3A_4] : memref<200x128xf32, #tpu.memory_space<vmem>>, vector<200x128xf32>
    %add3A = arith.addf %get3A_2, %get3A_5 : vector<200x128xf32>
    %broadcast_in_dim3A_6 = vector.shape_cast %add3A : vector<200x128xf32> to vector<1x200x128xf32>
    %get3A_7 = arith.constant 0 : index
    %get3A_8 = arith.constant 0 : index
    %get3A_9 = arith.constant 0 : index
    %get3A_10 = vector.load %arg5[%get3A_7, %get3A_8, %get3A_9] : memref<64x200x128xf32, #tpu.memory_space<vmem>>, vector<64x200x128xf32>
    %add3A_11 = vector.broadcast %broadcast_in_dim3A_6 : vector<1x200x128xf32> to vector<64x200x128xf32>
    %add3A_12 = arith.addf %get3A_10, %add3A_11 : vector<64x200x128xf32>
    %reshape3A = vector.shape_cast %add3A_12 : vector<64x200x128xf32> to vector<12800x128xf32>
    %dot_general3A = arith.constant dense<0.000000e+00> : vector<12800x128xf32>
    %dot_general3A_13 = tpu.matmul %reshape3A, %broadcast_in_dim3A_0, %dot_general3A {dimension_numbers = #tpu.dot_dimension_numbers<[1], [0], [0], [1], [0, 0, 1, 1], [], []>, transpose_lhs_hint = false} : vector<12800x128xf32>, vector<128x128xf32>, vector<12800x128xf32> -> vector<12800x128xf32>
    %sub3A = arith.subf %reshape3A, %dot_general3A_13 : vector<12800x128xf32>
    %mul3A = arith.mulf %sub3A, %sub3A : vector<12800x128xf32>
    %reduce_sum3A = arith.constant dense<0.000000e+00> : vector<12800xf32>
    %reduce_sum3A_14 = vector.multi_reduction <add>, %mul3A, %reduce_sum3A [1] : vector<12800x128xf32> to vector<12800xf32>
    %broadcast_in_dim3A_15 = vector.shape_cast %reduce_sum3A_14 : vector<12800xf32> to vector<12800x1xf32>
    %get3A_16 = arith.constant 0 : index
    %get3A_17 = arith.constant 0 : index
    %get3A_18 = vector.load %arg3[%get3A_16, %get3A_17] : memref<1x128xf32, #tpu.memory_space<vmem>>, vector<1x128xf32>
    %mul3A_19 = arith.constant 11.3137083 : f32
    %mul3A_20 = vector.broadcast %mul3A_19 : f32 to vector<1x128xf32>
    %mul3A_21 = arith.mulf %get3A_18, %mul3A_20 : vector<1x128xf32>
    %add3A_22 = arith.constant 1.280000e-03 : f32
    %add3A_23 = vector.broadcast %add3A_22 : f32 to vector<12800x1xf32>
    %add3A_24 = arith.addf %broadcast_in_dim3A_15, %add3A_23 : vector<12800x1xf32>
    %rsqrt3A = math.rsqrt %add3A_24 : vector<12800x1xf32>
    %mul3A_25 = vector.broadcast %rsqrt3A : vector<12800x1xf32> to vector<12800x128xf32>
    %mul3A_26 = vector.broadcast %mul3A_21 : vector<1x128xf32> to vector<12800x128xf32>
    %mul3A_27 = arith.mulf %mul3A_25, %mul3A_26 : vector<12800x128xf32>
    %mul3A_28 = arith.mulf %sub3A, %mul3A_27 : vector<12800x128xf32>
    %get3A_29 = arith.constant 0 : index
    %get3A_30 = arith.constant 0 : index
    %get3A_31 = vector.load %arg4[%get3A_29, %get3A_30] : memref<1x128xf32, #tpu.memory_space<vmem>>, vector<1x128xf32>
    %add3A_32 = vector.broadcast %get3A_31 : vector<1x128xf32> to vector<12800x128xf32>
    %add3A_33 = arith.addf %mul3A_28, %add3A_32 : vector<12800x128xf32>
    %reshape3A_34 = vector.shape_cast %add3A_33 : vector<12800x128xf32> to vector<64x200x128xf32>
    %swap3A = arith.constant 0 : index
    %swap3A_35 = arith.constant 0 : index
    %swap3A_36 = arith.constant 0 : index
    %swap3A_37 = vector.load %arg6[%swap3A, %swap3A_35, %swap3A_36] : memref<64x200x128xf32, #tpu.memory_space<vmem>>, vector<64x200x128xf32>
    tpu.vector_store %arg6[%swap3A, %swap3A_35, %swap3A_36], %reshape3A_34 {strides = array<i32>} : memref<64x200x128xf32, #tpu.memory_space<vmem>>, vector<64x200x128xf32>,
    return
  }
  func.func @transform_0(%arg0: i32) -> (i32, i32) {
    %c0_i32 = arith.constant 0 : i32
    %c0_i32_0 = arith.constant 0 : i32
    %c0_i32_1 = arith.constant 0 : i32
    return %c0_i32, %c0_i32_0 : i32, i32
  }
  func.func @transform_1(%arg0: i32) -> (i32, i32) {
    %c0_i32 = arith.constant 0 : i32
    %c0_i32_0 = arith.constant 0 : i32
    %c0_i32_1 = arith.constant 0 : i32
    return %c0_i32, %c0_i32_0 : i32, i32
  }
  func.func @transform_2(%arg0: i32) -> (i32, i32) {
    %c0_i32 = arith.constant 0 : i32
    %c0_i32_0 = arith.constant 0 : i32
    %c0_i32_1 = arith.constant 0 : i32
    return %c0_i32, %c0_i32_0 : i32, i32
  }
  func.func @transform_3(%arg0: i32) -> (i32, i32) {
    %c0_i32 = arith.constant 0 : i32
    %c0_i32_0 = arith.constant 0 : i32
    %c0_i32_1 = arith.constant 0 : i32
    return %c0_i32, %c0_i32_0 : i32, i32
  }
  func.func @transform_4(%arg0: i32) -> (i32, i32, i32) {
    %c0_i32 = arith.constant 0 : i32
    %c0_i32_0 = arith.constant 0 : i32
    %c0_i32_1 = arith.constant 0 : i32
    return %arg0, %c0_i32, %c0_i32_0 : i32, i32, i32
  }
  func.func @transform_5(%arg0: i32) -> (i32, i32, i32) {
    %c0_i32 = arith.constant 0 : i32
    %c0_i32_0 = arith.constant 0 : i32
    %c0_i32_1 = arith.constant 0 : i32
    return %arg0, %c0_i32, %c0_i32_0 : i32, i32, i32
  }
}

</mosaic_0001>

<sc_bundles>
// kernel: kernel.4.cloned.1.call-start
scs
__scs_entry_jumppad:
0x0: {  	(pc) =	sbr.rel $0x88, $3  }
0x1: {  	(tag) =	ssettag $0x0;
	lr =	simm.s32 $0x1  }
0x2: {  	[smem:$0x3F99] =	sst lr;
	_ =	strace $0xD0000000  }
0x3: {  	_ = 	snop  }
0x4: {  	_ = 	snop  }
0x5: {  	_ = 	snop  }
0x6: {  	_ = 	snop  }
0x7: {  	_ = 	snop  }
__scs_overlays_trampoline_lowered:
0x8: {  	[smem:$0x3FA8] =	sst s0  }
0x9: {  	[smem:$0x3FA9] =	sst s1  }
0xa: {  	[smem:$0x3FAA] =	sst s2  }
0xb: {  	[smem:$0x3FAB] =	sst s3  }
0xc: {  	[smem:$0x3FAC] =	sst s4  }
0xd: {  	[smem:$0x3FAD] =	sst s5  }
0xe: {  	[smem:$0x3FAE] =	sst s6  }
0xf: {  	[smem:$0x3FAF] =	sst s7  }
0x10: {  	[smem:$0x3FB0] =	sst s8  }
0x11: {  	[smem:$0x3FB1] =	sst s9;
	s0 =	simm.s32 @!p0 $0x0  }
0x12: {  	s1 =	sld [smem:$0x3F97];
	s0 =	simm.s32 @p0 $0x1  }
0x13: {  	[smem:$0x3FB2] =	sst s0;
	s0 =	simm.s32 @!p1 $0x0  }
0x14: {  	s2 =	sld [smem:$0x3F96];
	s0 =	simm.s32 @p1 $0x1  }
0x15: {  	[smem:$0x3FB3] =	sst s0;
	s0 =	simm.s32 @!p2 $0x0  }
0x16: {  	s3 =	sld [smem:$0x3FDB];
	s0 =	simm.s32 @p2 $0x1  }
0x17: {  	s4 =	simm.s32 $0x1BF5;
	[smem:$0x3FB5] =	sst s0  }
0x18: {  	s0 =	sld [smem:$0x3F98];
	_ =	swait.ge [sflag:s4], $0x0  }
0x19: {  	s7 =	sld [smem:$0x3F99]  }
0x1a: {  	s8 =	sadd.s32 $0xFFFFE003, lr  }
0x1b: {  	s9 =	sadd.s32 $0xFFFFFEF7, lr;
	s5 =	simm.s32 $0xFFFFFFFF;
	p2 =	slt.u32 s8, $0xFFFFF086  }
0x1c: {  	p1 =	slt.u32 s9, $0xF7A;
	s5 =	simm.s32 @!p2 $0x0  }
0x1d: {  	s5 =	simm.s32 @p1 $0x1;
	p0 =	seq.s32 s7, s2  }
0x1e: {  	s7 =	smul.u32 @!p0 $0xF7A, s2;
	p2 =	seq.s32 @!p0 s5, $0x0  }
0x1f: {  	s9 =	smul.u32 $0xF7A, s1;
	s8 =	simm.s32 @!p0 $0x1BF5;
	p2 =	por !p2, p0  }
0x20: {  	[sflag:s8] =	ssyncset.s32 @!p0 $0xFFFFF086;
	s6 =	sadd.s32 @!p0 s3, s7;
	s7 =	simm.s32 @!p0 $0x108  }
0x21: {  	s3 =	sadd.s32 s3, s9;
	s6 =	sadd.s32 @!p0 $0x88, s6;
	s7 =	simm.s32 @p2 $0x1082  }
0x22: {  	[simem:s7], [sflag:s8] =	dma.local @!p0 [hbm:s6], $0xF7A  }
0x23: {  	s9 =	sor.u32 $0xD0000000, s2;
	s6 =	simm.s32 $0x108;
	_ =	swait.ge @!p0 [sflag:s8], $0x0  }
0x24: {  	s3 =	sadd.s32 $0x88, s3;
	s6 =	simm.s32 @!p1 $0x1082;
	[sflag:s4] =	ssyncset.s32 $0xFFFFF086  }
0x25: {  	[simem:s6], [sflag:s4] =	dma.local [hbm:s3], $0xF7A  }
0x26: {  	[smem:$0x3F99] =	sst s1;
	(tag) =	ssettag s2;
	_ =	strace s9  }
0x27: {  	s1 =	sld [smem:$0x3FA9]  }
0x28: {  	s2 =	sld [smem:$0x3FAA]  }
0x29: {  	s4 =	sld [smem:$0x3FAC]  }
0x2a: {  	p0 =	seq.s32 s5, $0x0;
	s5 =	sld [smem:$0x3FAD]  }
0x2b: {  	s6 =	sld [smem:$0x3FAE]  }
0x2c: {  	s7 =	sld [smem:$0x3FAF]  }
0x2d: {  	s3 =	simm.s32 $0x108;
	s8 =	sld [smem:$0x3FB0]  }
0x2e: {  	s3 =	simm.s32 @!p0 $0x1082;
	s9 =	sld [smem:$0x3FB1]  }
0x2f: {  	lr =	sadd.s32 s0, s3;
	s0 =	sld [smem:$0x3FA8]  }
0x30: {  	s3 =	sld [smem:$0x3FAB]  }
0x31: {  	[smem:$0x3FB4] =	sst s10  }
0x32: {  	s10 =	sld [smem:$0x3FB2];
	_ =	sdelay $0x3  }
0x33: {  	p0 =	seq.s32 s10, $0x1;
	s10 =	sld [smem:$0x3FB4];
	_ =	sdelay $0x3  }
0x34: {  	[smem:$0x3FB4] =	sst s10  }
0x35: {  	s10 =	sld [smem:$0x3FB3];
	_ =	sdelay $0x3  }
0x36: {  	p1 =	seq.s32 s10, $0x1;
	s10 =	sld [smem:$0x3FB4];
	_ =	sdelay $0x3  }
0x37: {  	[smem:$0x3FB4] =	sst s10  }
0x38: {  	s10 =	sld [smem:$0x3FB5]  }
0x39: {  	_ = 	snop;
	(pc) =	sbr.ind lr, $3  }
0x3a: {  	_ = 	snop  }
0x3b: {  	_ = 	snop  }
0x3c: {  	p2 =	seq.s32 s10, $0x1;
	s10 =	sld [smem:$0x3FB4]  }
0x3d: {  	_ =	shalt  }
0x3e: {  	_ =	shalt  }
0x3f: {  	_ =	shalt  }
0x40: {  	_ =	shalt  }
0x41: {  	_ =	shalt  }
0x42: {  	_ =	shalt  }
0x43: {  	_ =	shalt  }
0x44: {  	_ =	shalt  }
0x45: {  	_ =	shalt  }
0x46: {  	_ =	shalt  }
0x47: {  	_ =	shalt  }
0x48: {  	_ =	shalt  }
0x49: {  	_ =	shalt  }
0x4a: {  	_ =	shalt  }
0x4b: {  	_ =	shalt  }
0x4c: {  	_ =	shalt  }
0x4d: {  	_ =	shalt  }
0x4e: {  	_ =	shalt  }
0x4f: {  	_ =	shalt  }
0x50: {  	_ =	shalt  }
0x51: {  	_ =	shalt  }
0x52: {  	_ =	shalt  }
0x53: {  	_ =	shalt  }
0x54: {  	_ =	shalt  }
0x55: {  	_ =	shalt  }
0x56: {  	_ =	shalt  }
0x57: {  	_ =	shalt  }
0x58: {  	_ =	shalt  }
0x59: {  	_ =	shalt  }
0x5a: {  	_ =	shalt  }
0x5b: {  	_ =	shalt  }
0x5c: {  	_ =	shalt  }
0x5d: {  	_ =	shalt  }
0x5e: {  	_ =	shalt  }
0x5f: {  	_ =	shalt  }
0x60: {  	_ =	shalt  }
0x61: {  	_ =	shalt  }
0x62: {  	_ =	shalt  }
0x63: {  	_ =	shalt  }
0x64: {  	_ =	shalt  }
0x65: {  	_ =	shalt  }
0x66: {  	_ =	shalt  }
0x67: {  	_ =	shalt  }
0x68: {  	_ =	shalt  }
0x69: {  	_ =	shalt  }
0x6a: {  	_ =	shalt  }
0x6b: {  	_ =	shalt  }
0x6c: {  	_ =	shalt  }
0x6d: {  	_ =	shalt  }
0x6e: {  	_ =	shalt  }
0x6f: {  	_ =	shalt  }
0x70: {  	_ =	shalt  }
0x71: {  	_ =	shalt  }
0x72: {  	_ =	shalt  }
0x73: {  	_ =	shalt  }
0x74: {  	_ =	shalt  }
0x75: {  	_ =	shalt  }
0x76: {  	_ =	shalt  }
0x77: {  	_ =	shalt  }
0x78: {  	_ =	shalt  }
0x79: {  	_ =	shalt  }
0x7a: {  	_ =	shalt  }
0x7b: {  	_ =	shalt  }
0x7c: {  	_ =	shalt  }
0x7d: {  	_ =	shalt  }
0x7e: {  	_ =	shalt  }
0x7f: {  	_ =	shalt  }
0x80: {  	_ =	shalt  }
0x81: {  	_ =	shalt  }
0x82: {  	_ =	shalt  }
0x83: {  	_ =	shalt  }
0x84: {  	_ =	shalt  }
0x85: {  	_ =	shalt  }
0x86: {  	_ =	shalt  }
0x87: {  	_ =	shalt  }
.Lfunc_end0:
.L_simem_size_0:
called_computation_lowered:
.L_overlay_start_0:
0x88: {  	s0 =	sld [smem:$0x3FD9]  }
0x89: {  	s1 =	sld [smem:$0x3FFE];
	_ =	sdelay $0x3  }
0x8a: {  	s0 =	sadd.s32 s1, s0  }
0x8b: {  	[smem:$0x3FC0] =	sst s0  }
0x8c: {  	_ = 	snop  }
0x8d: {  	s0 =	sld [smem:$0x3FC7]  }
0x8e: {  	s16 =	sld [smem:$0x3FD0];
	(tm) =	ssettm $0x1  }
0x8f: {  	s2 =	sld [smem:$0x3FFB];
	_ =	sdelay $0x3  }
0x90: {  	_ =	strace s2  }
0x91: {  	s2 =	sld [smem:$0x3FFC];
	_ =	sdelay $0x3  }
0x92: {  	_ =	strace s2  }
0x93: {  	s2 =	sld [smem:$0x3FFD];
	_ =	sdelay $0x3  }
0x94: {  	_ =	strace s2  }
0x95: {  	_ =	strace $0x8FFFFFFF  }
0x96: {  	s17 =	sld [smem:$0x3FDB];
	_ =	sdelay $0x1  }
0x97: {  	s3 =	simm.s32 $_scs_section_size  }
0x98: {  	s4 =	simm.s32 $_size__tile_overlayer_lowered;
	s5 =	simm.s32 $_tile_overlayer_lowered  }
0x99: {  	s20 =	simm.s32 $0x1BFF;
	s19 =	sshll.u32 s5, $0x1;
	s2 =	sadd.s32 s3, s17  }
0x9a: {  	s6 =	simm.s32 $0x0;
	s18 =	sshll.u32 s4, $0x1;
	s4 =	sadd.s32 s19, s2  }
0x9b: {  	[timem:s6], [sflag:s20] =	dma.local [hbm:s4], s18  }
0x9c: {  	_ =	swait.ge [sflag:s20], s18  }
0x9d: {  	s3 =	ssub.s32 $0x0, s18;
	[sflag:s20] =	ssyncset.done $0x0  }
0x9e: {  	[sflag:s20] =	ssyncadd.s32 s3;
	_ =	sdelay $0x1  }
0x9f: {  	s21 =	simm.s32 $0x1B8B  }
0xa0: {  	_ =	swait.ge [sflag:s21], $0x1  }
0xa1: {  	[sflag:s21] =	ssyncset.done $0x0  }
0xa2: {  	s23 =	simm.s32 $0x1B8E;
	s22 =	sld [smem:$0x3FFE];
	[sflag:s21] =	ssyncadd.s32 $0xFFFFFFFF  }
0xa3: {  	s24 =	simm.s32 $execute0_lowered;
	[smem:$0x3FD2] =	sst s23  }
0xa4: {  	s4 =	sshll.u32 s24, $0x1;
	_ =	strace $0x80000046;
	[dreg:$0x1] =	wrdreg $0xFFFFFFFF  }
0xa5: {  	s25 =	simm.s32 $_size_execute0_lowered;
	s2 =	sadd.s32 s2, s4;
	[dreg:$0x0] =	wrdreg $0x0  }
0xa6: {  	s4 =	sshll.u32 s25, $0x1;
	[dreg:$0x2] =	wrdreg s2  }
0xa7: {  	[dreg:$0x3] =	wrdreg s4  }
0xa8: {  	[dreg:$0x4] =	wrdreg $0xC0  }
0xa9: {  	_ =	task [dreg:s6], $0x5FFFF  }
0xaa: {  	[dreg:$0x1] =	wrdreg $0xFFFFFFFF  }
0xab: {  	[dreg:$0x0] =	wrdreg $0x60  }
0xac: {  	[dreg:$0x2] =	wrdreg s0  }
0xad: {  	[dreg:$0x3] =	wrdreg s22  }
0xae: {  	[dreg:$0x4] =	wrdreg s16  }
0xaf: {  	[dreg:$0x5] =	wrdreg $0x9  }
0xb0: {  	_ =	task.clear_ibuf [dreg:s6], $0x6FFFF;
	_ =	strace $0x90000046  }
0xb1: {  	s26 =	simm.s32 $0x9;
	_ =	strace $0x80000048  }
0xb2: {  	_ =	swait.ge [sflag:s26], $0x1  }
0xb3: {  	[sflag:s26] =	ssyncadd.s32 $0xFFFFFFFF  }
0xb4: {  	_ =	strace $0x90000048  }
0xb5: {  	_ =	sfence  }
0xb6: {  	s28 =	sld [smem:$0x0];
	_ =	sdelay $0x1  }
0xb7: {  	s29 =	srdreg.scid  }
0xb8: {  	s30 =	sshll.u32 s29, $0xD;
	s31 =	sshrl.u32 s29, $0x2  }
0xb9: {  	s1 =	sand.u32 $0x1, s29;
	s2 =	sand.u32 $0x4000, s30;
	s0 =	sadd.s32 s31, s28  }
0xba: {  	s1 =	sor.u32 s2, s1;
	s0 =	sshll.u32 s0, $0x11  }
0xbb: {  	s0 =	sor.u32 s0, s1  }
0xbc: {  	s0 =	sadd.s32 $0x8F2B, s0  }
0xbd: {  	[sflag:s0] =	ssyncadd.remote.s32 $0x1  }
0xbe: {  	_ =	sfence.sel $0xFFFF  }
0xbf: {  	[dreg:$0x0] =	wrdreg $0xFFFFFFFF;
	(pc) =	sbr.abs _section_cstart, $3  }
0xc0: {  	[dreg:$0x1] =	wrdreg $0xFFFFFFFF  }
0xc1: {  	_ =	task.clear_ibuf [dreg:s6], $0x2FFFF;
	_ =	strace $0x9FFFFFFF  }
0xc2: {  	(tm) =	ssettm $0x7FFFFFFF  }
0xc3: {  	_ =	shalt  }
tec
execute0_lowered:
.L_overlay_start_1:
0x0: {  	(tag) =	ssettag $0x1  }
0x1: {  	s0 =	rddreg [dreg:$0x0]  }
0x2: {  	s1 =	rddreg [dreg:$0x1];
	s3 =	stileid.u32  }
0x3: {  	s2 =	rddreg [dreg:$0x2];
	p0 =	sgt.u32 s3, $0xB  }
0x4: {  	s4 =	rddreg [dreg:$0x3];
	s5 =	simm.s32 $0x0;
	p1 =	sne.s32 @p0 s3, $0xC  }
0x5: {  	[smem:$0x7FF] =	sst s5;
	s5 =	sadd.s32 $0xC18, s1;
	p1 =	por p1, !p0  }
0x6: {  	_ =	strace $0x80000047;
	s6 =	simm.s32 @!p1 $0x0;
	s7 =	simm.s32 @!p1 $0x880  }
0x7: {  	[tilespmem:s7], [sflag:$0x2] =	stream.linear.gather @!p1 [hbm4b:s5+s6], $0x8, $0x38;
	[tilespmem:$0xD00] =	vst v63  }
0x8: {  	s5 =	simm.s32 @!p1 $0x2  }
0x9: {  	_ =	swait.ge @!p1 [sflag:s5], $0x8  }
0xa: {  	[sflag:s5] =	ssyncset.done @!p1 $0x0  }
0xb: {  	s8 =	simm.s32 @!p1 $0x8;
	s9 =	simm.s32 @!p1 $0x900;
	[sflag:s5] =	ssyncadd.s32 @!p1 $0xFFFFFFF8  }
0xc: {  	[tilespmem:s9], [sflag:$0x1] =	stream.indirect.gather @!p1 [hbm4b:s0+s8], $0x80, s7, s8, $0xb8;
	[tilespmem:$0xD00] =	vst v63  }
0xd: {  	s7 =	simm.s32 @!p1 $0x1  }
0xe: {  	_ =	swait.ge @!p1 [sflag:s7], $0x400  }
0xf: {  	[sflag:s7] =	ssyncset.done @!p1 $0x0  }
0x10: {  	s8 =	sadd.s32 $0xC00, s2;
	[sflag:s7] =	ssyncadd.s32 @!p1 $0xFFFFFC00  }
0x11: {  	[hbm4b:s8+s6] =	stream.linear.scatter @!p1 [tilespmem:s9], [sflag:$0x2], $0x400, $0x38;
	[tilespmem:$0xD00] =	vst v63  }
0x12: {  	_ =	swait.ge @!p1 [sflag:s5], $0x400  }
0x13: {  	s1 =	sadd.s32 $0xC00, s1;
	s6 =	sshll.u32 @!p0 s3, $0x1;
	[sflag:s5] =	ssyncset.done @!p1 $0x0  }
0x14: {  	s1 =	sadd.s32 @!p0 s1, s6;
	[sflag:s5] =	ssyncadd.s32 @!p1 $0xFFFFFC00;
	s5 =	simm.s32 @!p0 $0x0  }
0x15: {  	[tilespmem:s5], [sflag:$0x2] =	stream.linear.gather @!p0 [hbm4b:s1+s5], $0x10, $0x38;
	[tilespmem:$0xD00] =	vst v63  }
0x16: {  	s1 =	simm.s32 @!p0 $0x2  }
0x17: {  	_ =	swait.ge @!p0 [sflag:s1], $0x10  }
0x18: {  	[sflag:s1] =	ssyncset.done @!p0 $0x0  }
0x19: {  	s7 =	simm.s32 @!p0 $0x80;
	s6 =	simm.s32 @!p0 $0x10;
	[sflag:s1] =	ssyncadd.s32 @!p0 $0xFFFFFFF0  }
0x1a: {  	[tilespmem:s7], [sflag:$0x1] =	stream.indirect.gather @!p0 [hbm4b:s0+s6], $0x80, s5, s6, $0xb8;
	[tilespmem:$0xD00] =	vst v63  }
0x1b: {  	s0 =	simm.s32 @!p0 $0x1  }
0x1c: {  	_ =	swait.ge @!p0 [sflag:s0], $0x800  }
0x1d: {  	s6 =	sshll.u32 @!p0 s3, $0x8;
	[sflag:s0] =	ssyncset.done @!p0 $0x0  }
0x1e: {  	s2 =	sadd.s32 @!p0 s2, s6;
	[sflag:s0] =	ssyncadd.s32 @!p0 $0xFFFFF800  }
0x1f: {  	[hbm4b:s2+s5] =	stream.linear.scatter @!p0 [tilespmem:s7], [sflag:$0x2], $0x800, $0x38;
	[tilespmem:$0xD00] =	vst v63  }
0x20: {  	_ =	swait.ge @!p0 [sflag:s1], $0x800  }
0x21: {  	[sflag:s1] =	ssyncset.done @!p0 $0x0  }
0x22: {  	[sflag:s1] =	ssyncadd.s32 @!p0 $0xFFFFF800  }
0x23: {  	_ =	sfence.sel $0x180000  }
0x24: {  	[bflag:$0x0] =	sbarrier.arrive $0xFFFF  }
0x25: {  	p0 =	sne.s32 s3, $0x0;
	_ =	strace $0x90000047  }
0x26: {  	s0 =	sadd.s32 @!p0 $0x100000, s4;
	[bflag:$0x2] =	sbarrier.arrive $0xFFFF  }
0x27: {  	[sflag:s0] =	ssyncadd.tile.s32 @!p0 $0x1;
	_ =	shalt  }
.Lfunc_end2:
_tile_overlayer_lowered:
.L_overlay_start_2:
0x28: {  	(tag) =	ssettag $0x2  }
0x29: {  	s0 =	rddreg [dreg:$0x0];
	s2 =	stileid.u32  }
0x2a: {  	s1 =	rddreg [dreg:$0x1];
	p0 =	sne.s32 s2, $0x0  }
0x2b: {  	s3 =	rddreg [dreg:$0x2];
	[bflag:$0x3] =	sbarrier.arrive $0xFFFF;
	s2 =	simm.s32 @!p0 $0x1C02  }
0x2c: {  	[timem:s3], [sflag:s2] =	dma.local @!p0 [hbm:s0], s1  }
0x2d: {  	s0 =	simm.s32 @!p0 $0x2  }
0x2e: {  	_ =	swait.ge @!p0 [sflag:s0], s1  }
0x2f: {  	s1 =	ssub.s32 @!p0 $0x0, s1;
	[sflag:s0] =	ssyncset.done @!p0 $0x0  }
0x30: {  	[sflag:s0] =	ssyncadd.s32 @!p0 s1  }
0x31: {  	[bflag:$0x3] =	sbarrier.arrive $0xFFFF  }
0x32: {  	_ =	shalt  }

</sc_bundles>
